<compile_context>
chip_gen: v7x
topology: tpu7x:2x2x1
jax: 0.10.2.dev20260603
libtpu: 0.0.44.dev20260713+nightly
codegen_flags: <defaults>
</compile_context>

<pallas_src>
import functools

import jax
import jax.numpy as jnp
from jax import lax
from jax.experimental import pallas as pl
from jax.experimental.pallas import tpu as pltpu
from jax.experimental.pallas import tpu_sc as plsc

_N = 10000
_C = 10000
_E = 160000
_D = 256

_NS = 16
_NC = 2
_R = 10112
_STRIPE = _R // _NS
_W = 144
_K = 64
_EPT = 10240
_NB = _EPT // _K
_EPAD = _EPT * _NS


def _head(x, w_atten):
    def body(x_ref, wa_ref, o_ref):
        xv = x_ref[...]
        s = lax.dot_general(xv, wa_ref[...], (((1,), (1,)), ((), ())),
                            preferred_element_type=jnp.float32)
        s = jnp.where(s >= 0, s, 0.01 * s)
        p = jnp.exp(s)
        y = p * xv
        ones = jnp.ones((_N, 1), jnp.float32)
        zpadc = jnp.zeros((_N, _W - 130), jnp.float32)
        zpadr = jnp.zeros((_R - _N, _W), jnp.float32)
        ya = jnp.concatenate([y[:, :128], p, ones, zpadc], axis=1)
        yb = jnp.concatenate([y[:, 128:], p, ones, zpadc], axis=1)
        o_ref[...] = jnp.concatenate([ya, zpadr, yb, zpadr], axis=0)

    return pl.pallas_call(
        body,
        out_shape=jax.ShapeDtypeStruct((2 * _R, _W), jnp.float32),
    )(x, w_atten)


def _sc_segsum(y_cat, nidx, eid, zrows):
    mesh = plsc.VectorSubcoreMesh(core_axis_name="c", subcore_axis_name="s",
                                  num_cores=_NC, num_subcores=_NS)

    @functools.partial(
        pl.kernel,
        out_type=jax.ShapeDtypeStruct((2 * _R, _W), jnp.float32),
        mesh=mesh,
        scratch_types=[
            pltpu.VMEM((_NB, _K), jnp.int32),
            pltpu.VMEM((_NB, _K), jnp.int32),
            pltpu.VMEM((_K, _W), jnp.float32),
            pltpu.VMEM((_K, _W), jnp.float32),
            pltpu.VMEM_SHARED((_R, _W), jnp.float32),
            pltpu.SemaphoreType.DMA,
            pltpu.SemaphoreType.DMA,
            pltpu.SemaphoreType.DMA,
            pltpu.SemaphoreType.DMA,
            pltpu.SemaphoreType.DMA,
            pltpu.SemaphoreType.DMA,
            pltpu.SemaphoreType.DMA,
            pltpu.SemaphoreType.DMA,
        ],
        compiler_params=pltpu.CompilerParams(use_tc_tiling_on_sc=False),
    )
    def k(y_hbm, nidx_hbm, eid_hbm, z_hbm, out_hbm,
          nidx_v, eid_v, rows0, rows1, accum,
          gs0, gs1, gs2, gs3, ss0, ss1, ss2, ss3):
        c = lax.axis_index("c")
        s = lax.axis_index("s")
        row0 = s * _STRIPE
        pltpu.sync_copy(z_hbm, accum.at[pl.ds(row0, _STRIPE)])
        pltpu.sync_copy(nidx_hbm.at[c, s], nidx_v)
        pltpu.sync_copy(eid_hbm.at[s], eid_v)
        plsc.subcore_barrier()

        _H = _K // 2
        sems0 = (gs0, gs1)
        sems1 = (gs2, gs3)
        _ = (ss0, ss1, ss2, ss3)

        def g(b, buf, sems):
            for q in range(2):
                pltpu.async_copy(y_hbm.at[nidx_v.at[b, pl.ds(q * _H, _H)]],
                                 buf.at[pl.ds(q * _H, _H)], sems[q])

        def gwait(b, buf, sems):
            for q in range(2):
                pltpu.make_async_copy(y_hbm.at[nidx_v.at[b, pl.ds(q * _H, _H)]],
                                      buf.at[pl.ds(q * _H, _H)], sems[q]).wait()

        g(0, rows0, sems0)

        def body(i, carry):
            b = 2 * i
            gwait(b, rows0, sems0)
            g(b + 1, rows1, sems1)
            pltpu.sync_copy(rows0, accum.at[eid_v.at[b]], add=True)
            gwait(b + 1, rows1, sems1)

            @pl.when(b + 2 < _NB)
            def _():
                g(b + 2, rows0, sems0)

            pltpu.sync_copy(rows1, accum.at[eid_v.at[b + 1]], add=True)
            return carry

        lax.fori_loop(0, _NB // 2, body, 0)
        plsc.subcore_barrier()
        pltpu.sync_copy(accum.at[pl.ds(row0, _STRIPE)],
                        out_hbm.at[pl.ds(c * _R + row0, _STRIPE)])

    return k(y_cat, nidx, eid, zrows)


def _tail(acc, w_lin, w_lin2, gamma, beta):
    def body(a_ref, wl_ref, w2_ref, g_ref, b_ref, o_ref):
        s_sum = jnp.concatenate(
            [a_ref[:_C, :128], a_ref[_R:_R + _C, :128]], axis=1)
        denom = a_ref[:_C, 128:129]
        count = a_ref[:_C, 129:130]
        scale = 1.0 / ((denom + 1e-16) * jnp.maximum(count, 1.0))
        emb = s_sum * scale
        h = lax.dot_general(emb, wl_ref[...], (((1,), (1,)), ((), ())),
                            preferred_element_type=jnp.float32)
        h = lax.dot_general(h, w2_ref[...], (((1,), (1,)), ((), ())),
                            preferred_element_type=jnp.float32)
        mu = jnp.mean(h, axis=0, keepdims=True)
        var = jnp.mean((h - mu) * (h - mu), axis=0, keepdims=True)
        h = (h - mu) * lax.rsqrt(var + 1e-5) * g_ref[...] + b_ref[...]
        o_ref[...] = h * 0.5 * (1.0 + lax.erf(h * 0.7071067811865476))

    return pl.pallas_call(
        body,
        out_shape=jax.ShapeDtypeStruct((_C, _D), jnp.float32),
    )(acc, w_lin, w_lin2, gamma, beta)


def kernel(x, cycle_vertex_matrix, W_atten, W_lin, W_lin2, bn_gamma, bn_beta):
    eid = cycle_vertex_matrix[2]
    nid = cycle_vertex_matrix[3]

    y_cat = _head(x, W_atten)

    npad = _EPAD - _E
    spread = _N + (jnp.arange(npad, dtype=jnp.int32) % (_R - _N))
    nid_p = jnp.concatenate([nid, spread])
    eid_p = jnp.concatenate([eid, spread])
    nidx = jnp.stack([nid_p, nid_p + _R]).reshape(_NC, _NS, _NB, _K)
    eid3 = eid_p.reshape(_NS, _NB, _K)
    zrows = jnp.zeros((_STRIPE, _W), jnp.float32)

    out = _sc_segsum(y_cat, nidx, eid3, zrows)

    return _tail(out, W_lin, W_lin2,
                 bn_gamma.reshape(1, _D), bn_beta.reshape(1, _D))

# --- scband reference (transcript-rebuilt; emitter-appended) ---
"""Pipeline reference for scband-cycle-agg-layer-77197742178843 (READ-ONLY COPY).

The authoritative reference and input builder live on the scoring server;
editing this copy changes nothing except your own understanding.
"""

import jax, jax.numpy as jnp
import numpy as np

N_NODES = 10000
N_CYCLES = 10000
E = 160000
D_IN = 256
D_OUT = 256

def _kaiming_uniform(key, shape, fan_in):
    bound = float(np.sqrt(6.0 / fan_in))
    return jax.random.uniform(key, shape, minval=-bound, maxval=bound, dtype=jnp.float32)

def setup_inputs(seed: int = 0):
    key = jax.random.key(seed)
    k1, k2, k3, k4, k5 = jax.random.split(key, 5)
    x = jax.random.normal(k1, (N_NODES, D_IN), dtype=jnp.float32)
    cycle_vertex_matrix = jax.random.randint(k2, (4, E), 0, N_NODES, dtype=jnp.int32)
    W_atten = _kaiming_uniform(k3, (1, D_IN), D_IN)
    W_lin = _kaiming_uniform(k4, (D_OUT, D_IN), D_IN)
    W_lin2 = _kaiming_uniform(k5, (D_OUT, D_OUT), D_OUT)
    bn_gamma = jnp.ones((D_OUT,), dtype=jnp.float32)
    bn_beta = jnp.zeros((D_OUT,), dtype=jnp.float32)
    return {"x": x, "cycle_vertex_matrix": cycle_vertex_matrix, "W_atten": W_atten, "W_lin": W_lin, "W_lin2": W_lin2, "bn_gamma": bn_gamma, "bn_beta": bn_beta}

def reference(x, cycle_vertex_matrix, W_atten, W_lin, W_lin2, bn_gamma, bn_beta):
    edge_id = cycle_vertex_matrix[2]
    node_idx = cycle_vertex_matrix[3]
    # gather node features for each cycle-membership entry
    xg = jnp.take(x, node_idx, axis=0)  # [E, D_IN]
    # attention logits
    att = xg @ W_atten.T  # [E, 1]
    att = jax.nn.leaky_relu(att, negative_slope=0.01)
    # segment softmax over edge_id (PyG-style)
    seg_max = jax.ops.segment_max(att, edge_id, num_segments=N_CYCLES)
    att = jnp.exp(att - seg_max[edge_id])
    denom = jax.ops.segment_sum(att, edge_id, num_segments=N_CYCLES)
    att = att / (denom[edge_id] + 1e-16)
    # weighted features, scatter-mean into cycles
    xw = att * xg
    sums = jax.ops.segment_sum(xw, edge_id, num_segments=N_CYCLES)
    counts = jax.ops.segment_sum(jnp.ones((E, 1), dtype=jnp.float32), edge_id, num_segments=N_CYCLES)
    cycle_emb = sums / jnp.maximum(counts, 1.0)
    # two linear layers (no bias)
    h = cycle_emb @ W_lin.T
    h = h @ W_lin2.T
    # BatchNorm1d (training-mode batch statistics, biased variance)
    mu = jnp.mean(h, axis=0)
    var = jnp.var(h, axis=0)
    h = (h - mu) / jnp.sqrt(var + 1e-5) * bn_gamma + bn_beta
    # exact (erf) GELU as in torch F.gelu default
    h = jax.nn.gelu(h, approximate=False)
    # dropout treated as identity (deterministic reference)
    return h

if __name__ == "__main__":
    import jax
    _d = setup_inputs()
    print(jax.jit(kernel)(*tuple(_d.values())))

</pallas_src>

<mosaic_0001>
#map = affine_map<(d0, d1) -> (0, 0)>
#map1 = affine_map<(d0, d1) -> (0, 0, 0, 0)>
#map2 = affine_map<(d0, d1) -> (0, 0, 0)>
module attributes {stable_mosaic.version = 14 : i64} {
  func.func @k(%arg0: i32, %arg1: i32, %arg2: memref<20224x144xf32, #tpu.memory_space<hbm>>, %arg3: memref<2x16x160x64xi32, #tpu.memory_space<hbm>>, %arg4: memref<16x160x64xi32, #tpu.memory_space<hbm>>, %arg5: memref<632x144xf32, #tpu.memory_space<hbm>>, %arg6: memref<20224x144xf32, #tpu.memory_space<hbm>>, %arg7: memref<160x64xi32, #tpu.memory_space<vmem>>, %arg8: memref<160x64xi32, #tpu.memory_space<vmem>>, %arg9: memref<64x144xf32, #tpu.memory_space<vmem>>, %arg10: memref<64x144xf32, #tpu.memory_space<vmem>>, %arg11: memref<10112x144xf32, #tpu.memory_space<vmem_shared>>, %arg12: memref<!tpu.dma_semaphore, #tpu.memory_space<semaphore_mem>>, %arg13: memref<!tpu.dma_semaphore, #tpu.memory_space<semaphore_mem>>, %arg14: memref<!tpu.dma_semaphore, #tpu.memory_space<semaphore_mem>>, %arg15: memref<!tpu.dma_semaphore, #tpu.memory_space<semaphore_mem>>, %arg16: memref<!tpu.dma_semaphore, #tpu.memory_space<semaphore_mem>>, %arg17: memref<!tpu.dma_semaphore, #tpu.memory_space<semaphore_mem>>, %arg18: memref<!tpu.dma_semaphore, #tpu.memory_space<semaphore_mem>>, %arg19: memref<!tpu.dma_semaphore, #tpu.memory_space<semaphore_mem>>) attributes {dimension_semantics = [#tpu.dimension_semantics<core_parallel>, #tpu.dimension_semantics<subcore_parallel>], iteration_bounds = array<i64: 2, 16>, scalar_prefetch = 0 : i64, scratch_operands = 13 : i64, tpu.core_type = #tpu.core_type<sc_vector_subcore>, window_params = [{transform_indices = #map}, {transform_indices = #map1}, {transform_indices = #map2}, {transform_indices = #map}, {transform_indices = #map}]} {
    %mul3A = arith.constant 632 : i32
    %mul3A_0 = arith.muli %arg1, %mul3A : i32
    "tpu.region"() ({
      %run_scoped3A = tpu.sem_alloc : memref<!tpu.dma_semaphore, #tpu.memory_space<semaphore_mem>>
      %dma_start3A_28 = arith.constant 0 : i32
      %dma_start3A_29 = tpu.memref_slice %arg11[%mul3A_0, %dma_start3A_28] : memref<10112x144xf32, #tpu.memory_space<vmem_shared>> -> memref<632x144xf32, #tpu.memory_space<vmem_shared>>
      tpu.enqueue_dma source(%arg5 : memref<632x144xf32, #tpu.memory_space<hbm>>) target(%dma_start3A_29 : memref<632x144xf32, #tpu.memory_space<vmem_shared>>) target_semaphore(%run_scoped3A : memref<!tpu.dma_semaphore, #tpu.memory_space<semaphore_mem>>)
      %dma_wait3A = arith.constant 0 : i32
      %dma_wait3A_30 = tpu.memref_slice %arg11[%mul3A_0, %dma_wait3A] : memref<10112x144xf32, #tpu.memory_space<vmem_shared>> -> memref<632x144xf32, #tpu.memory_space<vmem_shared>>
      tpu.wait_dma2 semaphore(%run_scoped3A : memref<!tpu.dma_semaphore, #tpu.memory_space<semaphore_mem>>) src(%arg5 : memref<632x144xf32, #tpu.memory_space<hbm>>) dst(%dma_wait3A_30 : memref<632x144xf32, #tpu.memory_space<vmem_shared>>)
      tpu.yield
    }) : () -> ()
    "tpu.region"() ({
      %run_scoped3A = tpu.sem_alloc : memref<!tpu.dma_semaphore, #tpu.memory_space<semaphore_mem>>
      %dma_start3A_28 = arith.constant 0 : i32
      %dma_start3A_29 = arith.constant 0 : i32
      %dma_start3A_30 = tpu.memref_slice %arg3[%arg0, %arg1, %dma_start3A_28, %dma_start3A_29] : memref<2x16x160x64xi32, #tpu.memory_space<hbm>> -> memref<1x1x160x64xi32, #tpu.memory_space<hbm>>
      %dma_start3A_31 = tpu.memref_squeeze %dma_start3A_30 : memref<1x1x160x64xi32, #tpu.memory_space<hbm>> -> memref<160x64xi32, #tpu.memory_space<hbm>>
      %dma_start3A_32 = arith.constant 0 : i32
      %dma_start3A_33 = arith.constant 0 : i32
      %dma_start3A_34 = tpu.memref_slice %arg3[%arg0, %arg1, %dma_start3A_32, %dma_start3A_33] : memref<2x16x160x64xi32, #tpu.memory_space<hbm>> -> memref<1x1x160x64xi32, #tpu.memory_space<hbm>>
      %dma_start3A_35 = tpu.memref_squeeze %dma_start3A_34 : memref<1x1x160x64xi32, #tpu.memory_space<hbm>> -> memref<160x64xi32, #tpu.memory_space<hbm>>
      tpu.enqueue_dma source(%dma_start3A_35 : memref<160x64xi32, #tpu.memory_space<hbm>>) target(%arg7 : memref<160x64xi32, #tpu.memory_space<vmem>>) target_semaphore(%run_scoped3A : memref<!tpu.dma_semaphore, #tpu.memory_space<semaphore_mem>>)
      %dma_wait3A = arith.constant 0 : i32
      %dma_wait3A_36 = arith.constant 0 : i32
      %dma_wait3A_37 = tpu.memref_slice %arg3[%arg0, %arg1, %dma_wait3A, %dma_wait3A_36] : memref<2x16x160x64xi32, #tpu.memory_space<hbm>> -> memref<1x1x160x64xi32, #tpu.memory_space<hbm>>
      %dma_wait3A_38 = tpu.memref_squeeze %dma_wait3A_37 : memref<1x1x160x64xi32, #tpu.memory_space<hbm>> -> memref<160x64xi32, #tpu.memory_space<hbm>>
      %dma_wait3A_39 = arith.constant 0 : i32
      %dma_wait3A_40 = arith.constant 0 : i32
      %dma_wait3A_41 = tpu.memref_slice %arg3[%arg0, %arg1, %dma_wait3A_39, %dma_wait3A_40] : memref<2x16x160x64xi32, #tpu.memory_space<hbm>> -> memref<1x1x160x64xi32, #tpu.memory_space<hbm>>
      %dma_wait3A_42 = tpu.memref_squeeze %dma_wait3A_41 : memref<1x1x160x64xi32, #tpu.memory_space<hbm>> -> memref<160x64xi32, #tpu.memory_space<hbm>>
      tpu.wait_dma2 semaphore(%run_scoped3A : memref<!tpu.dma_semaphore, #tpu.memory_space<semaphore_mem>>) src(%dma_wait3A_42 : memref<160x64xi32, #tpu.memory_space<hbm>>) dst(%arg7 : memref<160x64xi32, #tpu.memory_space<vmem>>)
      tpu.yield
    }) : () -> ()
    "tpu.region"() ({
      %run_scoped3A = tpu.sem_alloc : memref<!tpu.dma_semaphore, #tpu.memory_space<semaphore_mem>>
      %dma_start3A_28 = arith.constant 0 : i32
      %dma_start3A_29 = arith.constant 0 : i32
      %dma_start3A_30 = tpu.memref_slice %arg4[%arg1, %dma_start3A_28, %dma_start3A_29] : memref<16x160x64xi32, #tpu.memory_space<hbm>> -> memref<1x160x64xi32, #tpu.memory_space<hbm>>
      %dma_start3A_31 = tpu.memref_squeeze %dma_start3A_30 : memref<1x160x64xi32, #tpu.memory_space<hbm>> -> memref<160x64xi32, #tpu.memory_space<hbm>>
      %dma_start3A_32 = arith.constant 0 : i32
      %dma_start3A_33 = arith.constant 0 : i32
      %dma_start3A_34 = tpu.memref_slice %arg4[%arg1, %dma_start3A_32, %dma_start3A_33] : memref<16x160x64xi32, #tpu.memory_space<hbm>> -> memref<1x160x64xi32, #tpu.memory_space<hbm>>
      %dma_start3A_35 = tpu.memref_squeeze %dma_start3A_34 : memref<1x160x64xi32, #tpu.memory_space<hbm>> -> memref<160x64xi32, #tpu.memory_space<hbm>>
      tpu.enqueue_dma source(%dma_start3A_35 : memref<160x64xi32, #tpu.memory_space<hbm>>) target(%arg8 : memref<160x64xi32, #tpu.memory_space<vmem>>) target_semaphore(%run_scoped3A : memref<!tpu.dma_semaphore, #tpu.memory_space<semaphore_mem>>)
      %dma_wait3A = arith.constant 0 : i32
      %dma_wait3A_36 = arith.constant 0 : i32
      %dma_wait3A_37 = tpu.memref_slice %arg4[%arg1, %dma_wait3A, %dma_wait3A_36] : memref<16x160x64xi32, #tpu.memory_space<hbm>> -> memref<1x160x64xi32, #tpu.memory_space<hbm>>
      %dma_wait3A_38 = tpu.memref_squeeze %dma_wait3A_37 : memref<1x160x64xi32, #tpu.memory_space<hbm>> -> memref<160x64xi32, #tpu.memory_space<hbm>>
      %dma_wait3A_39 = arith.constant 0 : i32
      %dma_wait3A_40 = arith.constant 0 : i32
      %dma_wait3A_41 = tpu.memref_slice %arg4[%arg1, %dma_wait3A_39, %dma_wait3A_40] : memref<16x160x64xi32, #tpu.memory_space<hbm>> -> memref<1x160x64xi32, #tpu.memory_space<hbm>>
      %dma_wait3A_42 = tpu.memref_squeeze %dma_wait3A_41 : memref<1x160x64xi32, #tpu.memory_space<hbm>> -> memref<160x64xi32, #tpu.memory_space<hbm>>
      tpu.wait_dma2 semaphore(%run_scoped3A : memref<!tpu.dma_semaphore, #tpu.memory_space<semaphore_mem>>) src(%dma_wait3A_42 : memref<160x64xi32, #tpu.memory_space<hbm>>) dst(%arg8 : memref<160x64xi32, #tpu.memory_space<vmem>>)
      tpu.yield
    }) : () -> ()
    %barrier3A = arith.constant 0 : index
    tpu.barrier barrier_id(%barrier3A)
    %dma_start3A = arith.constant 0 : i32
    %dma_start3A_1 = arith.constant 0 : i32
    %dma_start3A_2 = arith.constant 0 : i32
    %dma_start3A_3 = tpu.memref_slice %arg9[%dma_start3A_1, %dma_start3A_2] : memref<64x144xf32, #tpu.memory_space<vmem>> -> memref<32x144xf32, #tpu.memory_space<vmem>>
    %dma_start3A_4 = arith.constant 0 : i32
    %dma_start3A_5 = tpu.memref_slice %arg7[%dma_start3A, %dma_start3A_4] : memref<160x64xi32, #tpu.memory_space<vmem>> -> memref<1x32xi32, #tpu.memory_space<vmem>>
    %dma_start3A_6 = tpu.memref_squeeze %dma_start3A_5 : memref<1x32xi32, #tpu.memory_space<vmem>> -> memref<32xi32, #tpu.memory_space<vmem>>
    %dma_start3A_7 = arith.constant 0 : i32
    %dma_start3A_8 = arith.constant 0 : i32
    %dma_start3A_9 = tpu.memref_slice %arg2[%dma_start3A_7, %dma_start3A_8] : memref<20224x144xf32, #tpu.memory_space<hbm>> -> memref<20224x144xf32, #tpu.memory_space<hbm>>
    tpu.enqueue_indirect_dma source(%dma_start3A_9 : memref<20224x144xf32, #tpu.memory_space<hbm>>) target(%dma_start3A_3 : memref<32x144xf32, #tpu.memory_space<vmem>>) offsets(%dma_start3A_6 : memref<32xi32, #tpu.memory_space<vmem>>) semaphore(%arg12 : memref<!tpu.dma_semaphore, #tpu.memory_space<semaphore_mem>>)
    %dma_start3A_10 = arith.constant 0 : i32
    %dma_start3A_11 = arith.constant 32 : i32
    %dma_start3A_12 = arith.constant 0 : i32
    %dma_start3A_13 = tpu.memref_slice %arg9[%dma_start3A_11, %dma_start3A_12] : memref<64x144xf32, #tpu.memory_space<vmem>> -> memref<32x144xf32, #tpu.memory_space<vmem>>
    %dma_start3A_14 = arith.constant 32 : i32
    %dma_start3A_15 = tpu.memref_slice %arg7[%dma_start3A_10, %dma_start3A_14] : memref<160x64xi32, #tpu.memory_space<vmem>> -> memref<1x32xi32, #tpu.memory_space<vmem>>
    %dma_start3A_16 = tpu.memref_squeeze %dma_start3A_15 : memref<1x32xi32, #tpu.memory_space<vmem>> -> memref<32xi32, #tpu.memory_space<vmem>>
    %dma_start3A_17 = arith.constant 0 : i32
    %dma_start3A_18 = arith.constant 0 : i32
    %dma_start3A_19 = tpu.memref_slice %arg2[%dma_start3A_17, %dma_start3A_18] : memref<20224x144xf32, #tpu.memory_space<hbm>> -> memref<20224x144xf32, #tpu.memory_space<hbm>>
    tpu.enqueue_indirect_dma source(%dma_start3A_19 : memref<20224x144xf32, #tpu.memory_space<hbm>>) target(%dma_start3A_13 : memref<32x144xf32, #tpu.memory_space<vmem>>) offsets(%dma_start3A_16 : memref<32xi32, #tpu.memory_space<vmem>>) semaphore(%arg13 : memref<!tpu.dma_semaphore, #tpu.memory_space<semaphore_mem>>)
    %scan3A = arith.constant 0 : i32
    %scan3A_20 = arith.constant 0 : i32
    %scan3A_21 = arith.constant 80 : i32
    %scan3A_22 = arith.addi %scan3A_20, %scan3A_21 : i32
    %scan3A_23 = arith.constant 1 : i32
    scf.for %scan3A_28 = %scan3A_20 to %scan3A_22 step %scan3A_23  : i32 {
      %mul3A_29 = arith.constant 2 : i32
      %mul3A_30 = arith.muli %mul3A_29, %scan3A_28 : i32
      %dma_wait3A = arith.constant 0 : i32
      %dma_wait3A_31 = arith.constant 0 : i32
      %dma_wait3A_32 = tpu.memref_slice %arg9[%dma_wait3A, %dma_wait3A_31] : memref<64x144xf32, #tpu.memory_space<vmem>> -> memref<32x144xf32, #tpu.memory_space<vmem>>
      %dma_wait3A_33 = arith.constant 0 : i32
      %dma_wait3A_34 = tpu.memref_slice %arg7[%mul3A_30, %dma_wait3A_33] : memref<160x64xi32, #tpu.memory_space<vmem>> -> memref<1x32xi32, #tpu.memory_space<vmem>>
      %dma_wait3A_35 = tpu.memref_squeeze %dma_wait3A_34 : memref<1x32xi32, #tpu.memory_space<vmem>> -> memref<32xi32, #tpu.memory_space<vmem>>
      %dma_wait3A_36 = arith.constant 0 : i32
      %dma_wait3A_37 = arith.constant 0 : i32
      %dma_wait3A_38 = tpu.memref_slice %arg2[%dma_wait3A_36, %dma_wait3A_37] : memref<20224x144xf32, #tpu.memory_space<hbm>> -> memref<20224x144xf32, #tpu.memory_space<hbm>>
      tpu.wait_indirect_dma semaphore(%arg12 : memref<!tpu.dma_semaphore, #tpu.memory_space<semaphore_mem>>) src(%dma_wait3A_38 : memref<20224x144xf32, #tpu.memory_space<hbm>>) dst(%dma_wait3A_32 : memref<32x144xf32, #tpu.memory_space<vmem>>)
      %dma_wait3A_39 = arith.constant 32 : i32
      %dma_wait3A_40 = arith.constant 0 : i32
      %dma_wait3A_41 = tpu.memref_slice %arg9[%dma_wait3A_39, %dma_wait3A_40] : memref<64x144xf32, #tpu.memory_space<vmem>> -> memref<32x144xf32, #tpu.memory_space<vmem>>
      %dma_wait3A_42 = arith.constant 32 : i32
      %dma_wait3A_43 = tpu.memref_slice %arg7[%mul3A_30, %dma_wait3A_42] : memref<160x64xi32, #tpu.memory_space<vmem>> -> memref<1x32xi32, #tpu.memory_space<vmem>>
      %dma_wait3A_44 = tpu.memref_squeeze %dma_wait3A_43 : memref<1x32xi32, #tpu.memory_space<vmem>> -> memref<32xi32, #tpu.memory_space<vmem>>
      %dma_wait3A_45 = arith.constant 0 : i32
      %dma_wait3A_46 = arith.constant 0 : i32
      %dma_wait3A_47 = tpu.memref_slice %arg2[%dma_wait3A_45, %dma_wait3A_46] : memref<20224x144xf32, #tpu.memory_space<hbm>> -> memref<20224x144xf32, #tpu.memory_space<hbm>>
      tpu.wait_indirect_dma semaphore(%arg13 : memref<!tpu.dma_semaphore, #tpu.memory_space<semaphore_mem>>) src(%dma_wait3A_47 : memref<20224x144xf32, #tpu.memory_space<hbm>>) dst(%dma_wait3A_41 : memref<32x144xf32, #tpu.memory_space<vmem>>)
      %add3A_48 = arith.constant 1 : i32
      %add3A_49 = arith.addi %mul3A_30, %add3A_48 : i32
      %dma_start3A_50 = arith.constant 0 : i32
      %dma_start3A_51 = arith.constant 0 : i32
      %dma_start3A_52 = tpu.memref_slice %arg10[%dma_start3A_50, %dma_start3A_51] : memref<64x144xf32, #tpu.memory_space<vmem>> -> memref<32x144xf32, #tpu.memory_space<vmem>>
      %dma_start3A_53 = arith.constant 0 : i32
      %dma_start3A_54 = tpu.memref_slice %arg7[%add3A_49, %dma_start3A_53] : memref<160x64xi32, #tpu.memory_space<vmem>> -> memref<1x32xi32, #tpu.memory_space<vmem>>
      %dma_start3A_55 = tpu.memref_squeeze %dma_start3A_54 : memref<1x32xi32, #tpu.memory_space<vmem>> -> memref<32xi32, #tpu.memory_space<vmem>>
      %dma_start3A_56 = arith.constant 0 : i32
      %dma_start3A_57 = arith.constant 0 : i32
      %dma_start3A_58 = tpu.memref_slice %arg2[%dma_start3A_56, %dma_start3A_57] : memref<20224x144xf32, #tpu.memory_space<hbm>> -> memref<20224x144xf32, #tpu.memory_space<hbm>>
      tpu.enqueue_indirect_dma source(%dma_start3A_58 : memref<20224x144xf32, #tpu.memory_space<hbm>>) target(%dma_start3A_52 : memref<32x144xf32, #tpu.memory_space<vmem>>) offsets(%dma_start3A_55 : memref<32xi32, #tpu.memory_space<vmem>>) semaphore(%arg14 : memref<!tpu.dma_semaphore, #tpu.memory_space<semaphore_mem>>)
      %dma_start3A_59 = arith.constant 32 : i32
      %dma_start3A_60 = arith.constant 0 : i32
      %dma_start3A_61 = tpu.memref_slice %arg10[%dma_start3A_59, %dma_start3A_60] : memref<64x144xf32, #tpu.memory_space<vmem>> -> memref<32x144xf32, #tpu.memory_space<vmem>>
      %dma_start3A_62 = arith.constant 32 : i32
      %dma_start3A_63 = tpu.memref_slice %arg7[%add3A_49, %dma_start3A_62] : memref<160x64xi32, #tpu.memory_space<vmem>> -> memref<1x32xi32, #tpu.memory_space<vmem>>
      %dma_start3A_64 = tpu.memref_squeeze %dma_start3A_63 : memref<1x32xi32, #tpu.memory_space<vmem>> -> memref<32xi32, #tpu.memory_space<vmem>>
      %dma_start3A_65 = arith.constant 0 : i32
      %dma_start3A_66 = arith.constant 0 : i32
      %dma_start3A_67 = tpu.memref_slice %arg2[%dma_start3A_65, %dma_start3A_66] : memref<20224x144xf32, #tpu.memory_space<hbm>> -> memref<20224x144xf32, #tpu.memory_space<hbm>>
      tpu.enqueue_indirect_dma source(%dma_start3A_67 : memref<20224x144xf32, #tpu.memory_space<hbm>>) target(%dma_start3A_61 : memref<32x144xf32, #tpu.memory_space<vmem>>) offsets(%dma_start3A_64 : memref<32xi32, #tpu.memory_space<vmem>>) semaphore(%arg15 : memref<!tpu.dma_semaphore, #tpu.memory_space<semaphore_mem>>)
      "tpu.region"() ({
        %run_scoped3A = tpu.sem_alloc : memref<!tpu.dma_semaphore, #tpu.memory_space<semaphore_mem>>
        %dma_start3A_94 = arith.constant 0 : i32
        %dma_start3A_95 = tpu.memref_slice %arg8[%mul3A_30, %dma_start3A_94] : memref<160x64xi32, #tpu.memory_space<vmem>> -> memref<1x64xi32, #tpu.memory_space<vmem>>
        %dma_start3A_96 = tpu.memref_squeeze %dma_start3A_95 : memref<1x64xi32, #tpu.memory_space<vmem>> -> memref<64xi32, #tpu.memory_space<vmem>>
        %dma_start3A_97 = arith.constant 0 : i32
        %dma_start3A_98 = arith.constant 0 : i32
        %dma_start3A_99 = tpu.memref_slice %arg11[%dma_start3A_97, %dma_start3A_98] : memref<10112x144xf32, #tpu.memory_space<vmem_shared>> -> memref<10112x144xf32, #tpu.memory_space<vmem_shared>>
        tpu.enqueue_indirect_dma source(%arg9 : memref<64x144xf32, #tpu.memory_space<vmem>>) target(%dma_start3A_99 : memref<10112x144xf32, #tpu.memory_space<vmem_shared>>) offsets(%dma_start3A_96 : memref<64xi32, #tpu.memory_space<vmem>>) semaphore(%run_scoped3A : memref<!tpu.dma_semaphore, #tpu.memory_space<semaphore_mem>>) {add = true}
        %dma_wait3A_100 = arith.constant 0 : i32
        %dma_wait3A_101 = tpu.memref_slice %arg8[%mul3A_30, %dma_wait3A_100] : memref<160x64xi32, #tpu.memory_space<vmem>> -> memref<1x64xi32, #tpu.memory_space<vmem>>
        %dma_wait3A_102 = tpu.memref_squeeze %dma_wait3A_101 : memref<1x64xi32, #tpu.memory_space<vmem>> -> memref<64xi32, #tpu.memory_space<vmem>>
        %dma_wait3A_103 = arith.constant 0 : i32
        %dma_wait3A_104 = arith.constant 0 : i32
        %dma_wait3A_105 = tpu.memref_slice %arg11[%dma_wait3A_103, %dma_wait3A_104] : memref<10112x144xf32, #tpu.memory_space<vmem_shared>> -> memref<10112x144xf32, #tpu.memory_space<vmem_shared>>
        tpu.wait_indirect_dma semaphore(%run_scoped3A : memref<!tpu.dma_semaphore, #tpu.memory_space<semaphore_mem>>) src(%arg9 : memref<64x144xf32, #tpu.memory_space<vmem>>) dst(%dma_wait3A_105 : memref<10112x144xf32, #tpu.memory_space<vmem_shared>>)
        tpu.yield
      }) : () -> ()
      %add3A_68 = arith.constant 1 : i32
      %add3A_69 = arith.addi %mul3A_30, %add3A_68 : i32
      %dma_wait3A_70 = arith.constant 0 : i32
      %dma_wait3A_71 = arith.constant 0 : i32
      %dma_wait3A_72 = tpu.memref_slice %arg10[%dma_wait3A_70, %dma_wait3A_71] : memref<64x144xf32, #tpu.memory_space<vmem>> -> memref<32x144xf32, #tpu.memory_space<vmem>>
      %dma_wait3A_73 = arith.constant 0 : i32
      %dma_wait3A_74 = tpu.memref_slice %arg7[%add3A_69, %dma_wait3A_73] : memref<160x64xi32, #tpu.memory_space<vmem>> -> memref<1x32xi32, #tpu.memory_space<vmem>>
      %dma_wait3A_75 = tpu.memref_squeeze %dma_wait3A_74 : memref<1x32xi32, #tpu.memory_space<vmem>> -> memref<32xi32, #tpu.memory_space<vmem>>
      %dma_wait3A_76 = arith.constant 0 : i32
      %dma_wait3A_77 = arith.constant 0 : i32
      %dma_wait3A_78 = tpu.memref_slice %arg2[%dma_wait3A_76, %dma_wait3A_77] : memref<20224x144xf32, #tpu.memory_space<hbm>> -> memref<20224x144xf32, #tpu.memory_space<hbm>>
      tpu.wait_indirect_dma semaphore(%arg14 : memref<!tpu.dma_semaphore, #tpu.memory_space<semaphore_mem>>) src(%dma_wait3A_78 : memref<20224x144xf32, #tpu.memory_space<hbm>>) dst(%dma_wait3A_72 : memref<32x144xf32, #tpu.memory_space<vmem>>)
      %dma_wait3A_79 = arith.constant 32 : i32
      %dma_wait3A_80 = arith.constant 0 : i32
      %dma_wait3A_81 = tpu.memref_slice %arg10[%dma_wait3A_79, %dma_wait3A_80] : memref<64x144xf32, #tpu.memory_space<vmem>> -> memref<32x144xf32, #tpu.memory_space<vmem>>
      %dma_wait3A_82 = arith.constant 32 : i32
      %dma_wait3A_83 = tpu.memref_slice %arg7[%add3A_69, %dma_wait3A_82] : memref<160x64xi32, #tpu.memory_space<vmem>> -> memref<1x32xi32, #tpu.memory_space<vmem>>
      %dma_wait3A_84 = tpu.memref_squeeze %dma_wait3A_83 : memref<1x32xi32, #tpu.memory_space<vmem>> -> memref<32xi32, #tpu.memory_space<vmem>>
      %dma_wait3A_85 = arith.constant 0 : i32
      %dma_wait3A_86 = arith.constant 0 : i32
      %dma_wait3A_87 = tpu.memref_slice %arg2[%dma_wait3A_85, %dma_wait3A_86] : memref<20224x144xf32, #tpu.memory_space<hbm>> -> memref<20224x144xf32, #tpu.memory_space<hbm>>
      tpu.wait_indirect_dma semaphore(%arg15 : memref<!tpu.dma_semaphore, #tpu.memory_space<semaphore_mem>>) src(%dma_wait3A_87 : memref<20224x144xf32, #tpu.memory_space<hbm>>) dst(%dma_wait3A_81 : memref<32x144xf32, #tpu.memory_space<vmem>>)
      %add3A_88 = arith.constant 2 : i32
      %add3A_89 = arith.addi %mul3A_30, %add3A_88 : i32
      %lt3A = arith.constant 160 : i32
      %lt3A_90 = arith.cmpi slt, %add3A_89, %lt3A : i32
      %convert_element_type3A = arith.extui %lt3A_90 : i1 to i32
      %cond3A = arith.constant 0 : i32
      %cond3A_91 = arith.cmpi ne, %convert_element_type3A, %cond3A : i32
      scf.if %cond3A_91 {
        %add3A_94 = arith.constant 2 : i32
        %add3A_95 = arith.addi %mul3A_30, %add3A_94 : i32
        %dma_start3A_96 = arith.constant 0 : i32
        %dma_start3A_97 = arith.constant 0 : i32
        %dma_start3A_98 = tpu.memref_slice %arg9[%dma_start3A_96, %dma_start3A_97] : memref<64x144xf32, #tpu.memory_space<vmem>> -> memref<32x144xf32, #tpu.memory_space<vmem>>
        %dma_start3A_99 = arith.constant 0 : i32
        %dma_start3A_100 = tpu.memref_slice %arg7[%add3A_95, %dma_start3A_99] : memref<160x64xi32, #tpu.memory_space<vmem>> -> memref<1x32xi32, #tpu.memory_space<vmem>>
        %dma_start3A_101 = tpu.memref_squeeze %dma_start3A_100 : memref<1x32xi32, #tpu.memory_space<vmem>> -> memref<32xi32, #tpu.memory_space<vmem>>
        %dma_start3A_102 = arith.constant 0 : i32
        %dma_start3A_103 = arith.constant 0 : i32
        %dma_start3A_104 = tpu.memref_slice %arg2[%dma_start3A_102, %dma_start3A_103] : memref<20224x144xf32, #tpu.memory_space<hbm>> -> memref<20224x144xf32, #tpu.memory_space<hbm>>
        tpu.enqueue_indirect_dma source(%dma_start3A_104 : memref<20224x144xf32, #tpu.memory_space<hbm>>) target(%dma_start3A_98 : memref<32x144xf32, #tpu.memory_space<vmem>>) offsets(%dma_start3A_101 : memref<32xi32, #tpu.memory_space<vmem>>) semaphore(%arg12 : memref<!tpu.dma_semaphore, #tpu.memory_space<semaphore_mem>>)
        %dma_start3A_105 = arith.constant 32 : i32
        %dma_start3A_106 = arith.constant 0 : i32
        %dma_start3A_107 = tpu.memref_slice %arg9[%dma_start3A_105, %dma_start3A_106] : memref<64x144xf32, #tpu.memory_space<vmem>> -> memref<32x144xf32, #tpu.memory_space<vmem>>
        %dma_start3A_108 = arith.constant 32 : i32
        %dma_start3A_109 = tpu.memref_slice %arg7[%add3A_95, %dma_start3A_108] : memref<160x64xi32, #tpu.memory_space<vmem>> -> memref<1x32xi32, #tpu.memory_space<vmem>>
        %dma_start3A_110 = tpu.memref_squeeze %dma_start3A_109 : memref<1x32xi32, #tpu.memory_space<vmem>> -> memref<32xi32, #tpu.memory_space<vmem>>
        %dma_start3A_111 = arith.constant 0 : i32
        %dma_start3A_112 = arith.constant 0 : i32
        %dma_start3A_113 = tpu.memref_slice %arg2[%dma_start3A_111, %dma_start3A_112] : memref<20224x144xf32, #tpu.memory_space<hbm>> -> memref<20224x144xf32, #tpu.memory_space<hbm>>
        tpu.enqueue_indirect_dma source(%dma_start3A_113 : memref<20224x144xf32, #tpu.memory_space<hbm>>) target(%dma_start3A_107 : memref<32x144xf32, #tpu.memory_space<vmem>>) offsets(%dma_start3A_110 : memref<32xi32, #tpu.memory_space<vmem>>) semaphore(%arg13 : memref<!tpu.dma_semaphore, #tpu.memory_space<semaphore_mem>>)
      } else {
      }
      %add3A_92 = arith.constant 1 : i32
      %add3A_93 = arith.addi %mul3A_30, %add3A_92 : i32
      "tpu.region"() ({
        %run_scoped3A = tpu.sem_alloc : memref<!tpu.dma_semaphore, #tpu.memory_space<semaphore_mem>>
        %dma_start3A_94 = arith.constant 0 : i32
        %dma_start3A_95 = tpu.memref_slice %arg8[%add3A_93, %dma_start3A_94] : memref<160x64xi32, #tpu.memory_space<vmem>> -> memref<1x64xi32, #tpu.memory_space<vmem>>
        %dma_start3A_96 = tpu.memref_squeeze %dma_start3A_95 : memref<1x64xi32, #tpu.memory_space<vmem>> -> memref<64xi32, #tpu.memory_space<vmem>>
        %dma_start3A_97 = arith.constant 0 : i32
        %dma_start3A_98 = arith.constant 0 : i32
        %dma_start3A_99 = tpu.memref_slice %arg11[%dma_start3A_97, %dma_start3A_98] : memref<10112x144xf32, #tpu.memory_space<vmem_shared>> -> memref<10112x144xf32, #tpu.memory_space<vmem_shared>>
        tpu.enqueue_indirect_dma source(%arg10 : memref<64x144xf32, #tpu.memory_space<vmem>>) target(%dma_start3A_99 : memref<10112x144xf32, #tpu.memory_space<vmem_shared>>) offsets(%dma_start3A_96 : memref<64xi32, #tpu.memory_space<vmem>>) semaphore(%run_scoped3A : memref<!tpu.dma_semaphore, #tpu.memory_space<semaphore_mem>>) {add = true}
        %dma_wait3A_100 = arith.constant 0 : i32
        %dma_wait3A_101 = tpu.memref_slice %arg8[%add3A_93, %dma_wait3A_100] : memref<160x64xi32, #tpu.memory_space<vmem>> -> memref<1x64xi32, #tpu.memory_space<vmem>>
        %dma_wait3A_102 = tpu.memref_squeeze %dma_wait3A_101 : memref<1x64xi32, #tpu.memory_space<vmem>> -> memref<64xi32, #tpu.memory_space<vmem>>
        %dma_wait3A_103 = arith.constant 0 : i32
        %dma_wait3A_104 = arith.constant 0 : i32
        %dma_wait3A_105 = tpu.memref_slice %arg11[%dma_wait3A_103, %dma_wait3A_104] : memref<10112x144xf32, #tpu.memory_space<vmem_shared>> -> memref<10112x144xf32, #tpu.memory_space<vmem_shared>>
        tpu.wait_indirect_dma semaphore(%run_scoped3A : memref<!tpu.dma_semaphore, #tpu.memory_space<semaphore_mem>>) src(%arg10 : memref<64x144xf32, #tpu.memory_space<vmem>>) dst(%dma_wait3A_105 : memref<10112x144xf32, #tpu.memory_space<vmem_shared>>)
        tpu.yield
      }) : () -> ()
    }
    %scan3A_24 = arith.constant 80 : i32
    %barrier3A_25 = arith.constant 0 : index
    tpu.barrier barrier_id(%barrier3A_25)
    %mul3A_26 = arith.constant 10112 : i32
    %mul3A_27 = arith.muli %arg0, %mul3A_26 : i32
    %add3A = arith.addi %mul3A_27, %mul3A_0 : i32
    "tpu.region"() ({
      %run_scoped3A = tpu.sem_alloc : memref<!tpu.dma_semaphore, #tpu.memory_space<semaphore_mem>>
      %dma_start3A_28 = arith.constant 0 : i32
      %dma_start3A_29 = tpu.memref_slice %arg6[%add3A, %dma_start3A_28] : memref<20224x144xf32, #tpu.memory_space<hbm>> -> memref<632x144xf32, #tpu.memory_space<hbm>>
      %dma_start3A_30 = arith.constant 0 : i32
      %dma_start3A_31 = tpu.memref_slice %arg11[%mul3A_0, %dma_start3A_30] : memref<10112x144xf32, #tpu.memory_space<vmem_shared>> -> memref<632x144xf32, #tpu.memory_space<vmem_shared>>
      tpu.enqueue_dma source(%dma_start3A_31 : memref<632x144xf32, #tpu.memory_space<vmem_shared>>) target(%dma_start3A_29 : memref<632x144xf32, #tpu.memory_space<hbm>>) target_semaphore(%run_scoped3A : memref<!tpu.dma_semaphore, #tpu.memory_space<semaphore_mem>>)
      %dma_wait3A = arith.constant 0 : i32
      %dma_wait3A_32 = tpu.memref_slice %arg6[%add3A, %dma_wait3A] : memref<20224x144xf32, #tpu.memory_space<hbm>> -> memref<632x144xf32, #tpu.memory_space<hbm>>
      %dma_wait3A_33 = arith.constant 0 : i32
      %dma_wait3A_34 = tpu.memref_slice %arg11[%mul3A_0, %dma_wait3A_33] : memref<10112x144xf32, #tpu.memory_space<vmem_shared>> -> memref<632x144xf32, #tpu.memory_space<vmem_shared>>
      tpu.wait_dma2 semaphore(%run_scoped3A : memref<!tpu.dma_semaphore, #tpu.memory_space<semaphore_mem>>) src(%dma_wait3A_34 : memref<632x144xf32, #tpu.memory_space<vmem_shared>>) dst(%dma_wait3A_32 : memref<632x144xf32, #tpu.memory_space<hbm>>)
      tpu.yield
    }) : () -> ()
    return
  }
}

module attributes {stable_mosaic.version = 14 : i64} {
  func.func @body(%arg0: memref<10000x256xf32, #tpu.memory_space<vmem>>, %arg1: memref<1x256xf32, #tpu.memory_space<vmem>>, %arg2: memref<20224x144xf32, #tpu.memory_space<vmem>>) attributes {dimension_semantics = [], scalar_prefetch = 0 : i64, scratch_operands = 0 : i64, tpu.core_type = #tpu.core_type<tc>} {
    %get3A = arith.constant 0 : index
    %get3A_0 = arith.constant 0 : index
    %get3A_1 = vector.load %arg0[%get3A, %get3A_0] : memref<10000x256xf32, #tpu.memory_space<vmem>>, vector<10000x256xf32>
    %get3A_2 = arith.constant 0 : index
    %get3A_3 = arith.constant 0 : index
    %get3A_4 = vector.load %arg1[%get3A_2, %get3A_3] : memref<1x256xf32, #tpu.memory_space<vmem>>, vector<1x256xf32>
    %dot_general3A = arith.constant dense<0.000000e+00> : vector<10000x1xf32>
    %dot_general3A_5 = tpu.matmul %get3A_1, %get3A_4, %dot_general3A {dimension_numbers = #tpu.dot_dimension_numbers<[1], [1], [0], [0], [0, 0, 1, 0], [], []>, transpose_lhs_hint = false} : vector<10000x256xf32>, vector<1x256xf32>, vector<10000x1xf32> -> vector<10000x1xf32>
    %ge3A = arith.constant 0.000000e+00 : f32
    %ge3A_6 = vector.broadcast %ge3A : f32 to vector<10000x1xf32>
    %ge3A_7 = arith.cmpf oge, %dot_general3A_5, %ge3A_6 : vector<10000x1xf32>
    %mul3A = arith.constant 0.00999999977 : f32
    %mul3A_8 = vector.broadcast %mul3A : f32 to vector<10000x1xf32>
    %mul3A_9 = arith.mulf %mul3A_8, %dot_general3A_5 : vector<10000x1xf32>
    %select_n3A = arith.select %ge3A_7, %dot_general3A_5, %mul3A_9 : vector<10000x1xi1>, vector<10000x1xf32>
    %exp3A = math.exp %select_n3A : vector<10000x1xf32>
    %mul3A_10 = vector.broadcast %exp3A : vector<10000x1xf32> to vector<10000x256xf32>
    %mul3A_11 = arith.mulf %mul3A_10, %get3A_1 : vector<10000x256xf32>
    %broadcast_in_dim3A = arith.constant 1.000000e+00 : f32
    %broadcast_in_dim3A_12 = vector.broadcast %broadcast_in_dim3A : f32 to vector<10000x1xf32>
    %broadcast_in_dim3A_13 = arith.constant 0.000000e+00 : f32
    %broadcast_in_dim3A_14 = vector.broadcast %broadcast_in_dim3A_13 : f32 to vector<10000x14xf32>
    %broadcast_in_dim3A_15 = arith.constant 0.000000e+00 : f32
    %broadcast_in_dim3A_16 = vector.broadcast %broadcast_in_dim3A_15 : f32 to vector<112x144xf32>
    %slice3A = vector.extract_strided_slice %mul3A_11 {offsets = [0, 0], sizes = [10000, 128], strides = [1, 1]} : vector<10000x256xf32> to vector<10000x128xf32>
    %concatenate3A = tpu.concatenate %slice3A, %exp3A, %broadcast_in_dim3A_12, %broadcast_in_dim3A_14 in 1 : vector<10000x128xf32>, vector<10000x1xf32>, vector<10000x1xf32>, vector<10000x14xf32> -> vector<10000x144xf32>
    %slice3A_17 = vector.extract_strided_slice %mul3A_11 {offsets = [0, 128], sizes = [10000, 128], strides = [1, 1]} : vector<10000x256xf32> to vector<10000x128xf32>
    %concatenate3A_18 = tpu.concatenate %slice3A_17, %exp3A, %broadcast_in_dim3A_12, %broadcast_in_dim3A_14 in 1 : vector<10000x128xf32>, vector<10000x1xf32>, vector<10000x1xf32>, vector<10000x14xf32> -> vector<10000x144xf32>
    %concatenate3A_19 = tpu.concatenate %concatenate3A, %broadcast_in_dim3A_16, %concatenate3A_18, %broadcast_in_dim3A_16 in 0 : vector<10000x144xf32>, vector<112x144xf32>, vector<10000x144xf32>, vector<112x144xf32> -> vector<20224x144xf32>
    %swap3A = arith.constant 0 : index
    %swap3A_20 = arith.constant 0 : index
    %swap3A_21 = vector.load %arg2[%swap3A, %swap3A_20] : memref<20224x144xf32, #tpu.memory_space<vmem>>, vector<20224x144xf32>
    tpu.vector_store %arg2[%swap3A, %swap3A_20], %concatenate3A_19 {strides = array<i32>} : memref<20224x144xf32, #tpu.memory_space<vmem>>, vector<20224x144xf32>,
    return
  }
}

module attributes {stable_mosaic.version = 14 : i64} {
  func.func @body(%arg0: memref<20224x144xf32, #tpu.memory_space<vmem>>, %arg1: memref<256x256xf32, #tpu.memory_space<vmem>>, %arg2: memref<256x256xf32, #tpu.memory_space<vmem>>, %arg3: memref<1x256xf32, #tpu.memory_space<vmem>>, %arg4: memref<1x256xf32, #tpu.memory_space<vmem>>, %arg5: memref<10000x256xf32, #tpu.memory_space<vmem>>) attributes {dimension_semantics = [], scalar_prefetch = 0 : i64, scratch_operands = 0 : i64, tpu.core_type = #tpu.core_type<tc>} {
    %get3A = arith.constant 0 : index
    %get3A_0 = arith.constant 0 : index
    %get3A_1 = vector.load %arg0[%get3A, %get3A_0] : memref<20224x144xf32, #tpu.memory_space<vmem>>, vector<10000x128xf32>
    %get3A_2 = arith.constant 10112 : index
    %get3A_3 = arith.constant 0 : index
    %get3A_4 = vector.load %arg0[%get3A_2, %get3A_3] : memref<20224x144xf32, #tpu.memory_space<vmem>>, vector<10000x128xf32>
    %concatenate3A = tpu.concatenate %get3A_1, %get3A_4 in 1 : vector<10000x128xf32>, vector<10000x128xf32> -> vector<10000x256xf32>
    %get3A_5 = arith.constant 0 : index
    %get3A_6 = arith.constant 128 : index
    %get3A_7 = vector.load %arg0[%get3A_5, %get3A_6] : memref<20224x144xf32, #tpu.memory_space<vmem>>, vector<10000x1xf32>
    %get3A_8 = arith.constant 0 : index
    %get3A_9 = arith.constant 129 : index
    %get3A_10 = vector.load %arg0[%get3A_8, %get3A_9] : memref<20224x144xf32, #tpu.memory_space<vmem>>, vector<10000x1xf32>
    %add3A = arith.constant 1.000000e-16 : f32
    %add3A_11 = vector.broadcast %add3A : f32 to vector<10000x1xf32>
    %add3A_12 = arith.addf %get3A_7, %add3A_11 : vector<10000x1xf32>
    %max3A = arith.constant 1.000000e+00 : f32
    %max3A_13 = vector.broadcast %max3A : f32 to vector<10000x1xf32>
    %max3A_14 = arith.maximumf %get3A_10, %max3A_13 : vector<10000x1xf32>
    %mul3A = arith.mulf %add3A_12, %max3A_14 : vector<10000x1xf32>
    %div3A = arith.constant 1.000000e+00 : f32
    %div3A_15 = vector.broadcast %div3A : f32 to vector<10000x1xf32>
    %div3A_16 = arith.divf %div3A_15, %mul3A : vector<10000x1xf32>
    %mul3A_17 = vector.broadcast %div3A_16 : vector<10000x1xf32> to vector<10000x256xf32>
    %mul3A_18 = arith.mulf %concatenate3A, %mul3A_17 : vector<10000x256xf32>
    %get3A_19 = arith.constant 0 : index
    %get3A_20 = arith.constant 0 : index
    %get3A_21 = vector.load %arg1[%get3A_19, %get3A_20] : memref<256x256xf32, #tpu.memory_space<vmem>>, vector<256x256xf32>
    %dot_general3A = arith.constant dense<0.000000e+00> : vector<10000x256xf32>
    %dot_general3A_22 = tpu.matmul %mul3A_18, %get3A_21, %dot_general3A {dimension_numbers = #tpu.dot_dimension_numbers<[1], [1], [0], [0], [0, 0, 1, 0], [], []>, transpose_lhs_hint = false} : vector<10000x256xf32>, vector<256x256xf32>, vector<10000x256xf32> -> vector<10000x256xf32>
    %get3A_23 = arith.constant 0 : index
    %get3A_24 = arith.constant 0 : index
    %get3A_25 = vector.load %arg2[%get3A_23, %get3A_24] : memref<256x256xf32, #tpu.memory_space<vmem>>, vector<256x256xf32>
    %dot_general3A_26 = arith.constant dense<0.000000e+00> : vector<10000x256xf32>
    %dot_general3A_27 = tpu.matmul %dot_general3A_22, %get3A_25, %dot_general3A_26 {dimension_numbers = #tpu.dot_dimension_numbers<[1], [1], [0], [0], [0, 0, 1, 0], [], []>, transpose_lhs_hint = false} : vector<10000x256xf32>, vector<256x256xf32>, vector<10000x256xf32> -> vector<10000x256xf32>
    %reduce_sum3A = arith.constant dense<0.000000e+00> : vector<256xf32>
    %reduce_sum3A_28 = vector.multi_reduction <add>, %dot_general3A_27, %reduce_sum3A [0] : vector<10000x256xf32> to vector<256xf32>
    %broadcast_in_dim3A = vector.shape_cast %reduce_sum3A_28 : vector<256xf32> to vector<1x256xf32>
    %div3A_29 = arith.constant 1.000000e+04 : f32
    %div3A_30 = vector.broadcast %div3A_29 : f32 to vector<1x256xf32>
    %div3A_31 = arith.divf %broadcast_in_dim3A, %div3A_30 : vector<1x256xf32>
    %sub3A = vector.broadcast %div3A_31 : vector<1x256xf32> to vector<10000x256xf32>
    %sub3A_32 = arith.subf %dot_general3A_27, %sub3A : vector<10000x256xf32>
    %sub3A_33 = vector.broadcast %div3A_31 : vector<1x256xf32> to vector<10000x256xf32>
    %sub3A_34 = arith.subf %dot_general3A_27, %sub3A_33 : vector<10000x256xf32>
    %mul3A_35 = arith.mulf %sub3A_32, %sub3A_34 : vector<10000x256xf32>
    %reduce_sum3A_36 = arith.constant dense<0.000000e+00> : vector<256xf32>
    %reduce_sum3A_37 = vector.multi_reduction <add>, %mul3A_35, %reduce_sum3A_36 [0] : vector<10000x256xf32> to vector<256xf32>
    %broadcast_in_dim3A_38 = vector.shape_cast %reduce_sum3A_37 : vector<256xf32> to vector<1x256xf32>
    %div3A_39 = arith.constant 1.000000e+04 : f32
    %div3A_40 = vector.broadcast %div3A_39 : f32 to vector<1x256xf32>
    %div3A_41 = arith.divf %broadcast_in_dim3A_38, %div3A_40 : vector<1x256xf32>
    %sub3A_42 = vector.broadcast %div3A_31 : vector<1x256xf32> to vector<10000x256xf32>
    %sub3A_43 = arith.subf %dot_general3A_27, %sub3A_42 : vector<10000x256xf32>
    %add3A_44 = arith.constant 9.99999974E-6 : f32
    %add3A_45 = vector.broadcast %add3A_44 : f32 to vector<1x256xf32>
    %add3A_46 = arith.addf %div3A_41, %add3A_45 : vector<1x256xf32>
    %rsqrt3A = math.rsqrt %add3A_46 : vector<1x256xf32>
    %mul3A_47 = vector.broadcast %rsqrt3A : vector<1x256xf32> to vector<10000x256xf32>
    %mul3A_48 = arith.mulf %sub3A_43, %mul3A_47 : vector<10000x256xf32>
    %get3A_49 = arith.constant 0 : index
    %get3A_50 = arith.constant 0 : index
    %get3A_51 = vector.load %arg3[%get3A_49, %get3A_50] : memref<1x256xf32, #tpu.memory_space<vmem>>, vector<1x256xf32>
    %mul3A_52 = vector.broadcast %get3A_51 : vector<1x256xf32> to vector<10000x256xf32>
    %mul3A_53 = arith.mulf %mul3A_48, %mul3A_52 : vector<10000x256xf32>
    %get3A_54 = arith.constant 0 : index
    %get3A_55 = arith.constant 0 : index
    %get3A_56 = vector.load %arg4[%get3A_54, %get3A_55] : memref<1x256xf32, #tpu.memory_space<vmem>>, vector<1x256xf32>
    %add3A_57 = vector.broadcast %get3A_56 : vector<1x256xf32> to vector<10000x256xf32>
    %add3A_58 = arith.addf %mul3A_53, %add3A_57 : vector<10000x256xf32>
    %mul3A_59 = arith.constant 5.000000e-01 : f32
    %mul3A_60 = vector.broadcast %mul3A_59 : f32 to vector<10000x256xf32>
    %mul3A_61 = arith.mulf %add3A_58, %mul3A_60 : vector<10000x256xf32>
    %mul3A_62 = arith.constant 0.707106769 : f32
    %mul3A_63 = vector.broadcast %mul3A_62 : f32 to vector<10000x256xf32>
    %mul3A_64 = arith.mulf %add3A_58, %mul3A_63 : vector<10000x256xf32>
    %erf3A = math.erf %mul3A_64 : vector<10000x256xf32>
    %add3A_65 = arith.constant 1.000000e+00 : f32
    %add3A_66 = vector.broadcast %add3A_65 : f32 to vector<10000x256xf32>
    %add3A_67 = arith.addf %add3A_66, %erf3A : vector<10000x256xf32>
    %mul3A_68 = arith.mulf %mul3A_61, %add3A_67 : vector<10000x256xf32>
    %swap3A = arith.constant 0 : index
    %swap3A_69 = arith.constant 0 : index
    %swap3A_70 = vector.load %arg5[%swap3A, %swap3A_69] : memref<10000x256xf32, #tpu.memory_space<vmem>>, vector<10000x256xf32>
    tpu.vector_store %arg5[%swap3A, %swap3A_69], %mul3A_68 {strides = array<i32>} : memref<10000x256xf32, #tpu.memory_space<vmem>>, vector<10000x256xf32>,
    return
  }
}

</mosaic_0001>

<sc_bundles>
// kernel: kernel.5.cloned.1.call-start
scs
__scs_entry_jumppad:
0x0: {  	(pc) =	sbr.rel $0x88, $3  }
0x1: {  	(tag) =	ssettag $0x0;
	lr =	simm.s32 $0x1  }
0x2: {  	[smem:$0x3F9A] =	sst lr;
	_ =	strace $0xD0000000  }
0x3: {  	_ = 	snop  }
0x4: {  	_ = 	snop  }
0x5: {  	_ = 	snop  }
0x6: {  	_ = 	snop  }
0x7: {  	_ = 	snop  }
__scs_overlays_trampoline_lowered:
0x8: {  	[smem:$0x3FA9] =	sst s0  }
0x9: {  	[smem:$0x3FAA] =	sst s1  }
0xa: {  	[smem:$0x3FAB] =	sst s2  }
0xb: {  	[smem:$0x3FAC] =	sst s3  }
0xc: {  	[smem:$0x3FAD] =	sst s4  }
0xd: {  	[smem:$0x3FAE] =	sst s5  }
0xe: {  	[smem:$0x3FAF] =	sst s6  }
0xf: {  	[smem:$0x3FB0] =	sst s7  }
0x10: {  	[smem:$0x3FB1] =	sst s8  }
0x11: {  	[smem:$0x3FB2] =	sst s9;
	s0 =	simm.s32 @!p0 $0x0  }
0x12: {  	s1 =	sld [smem:$0x3F98];
	s0 =	simm.s32 @p0 $0x1  }
0x13: {  	[smem:$0x3FB3] =	sst s0;
	s0 =	simm.s32 @!p1 $0x0  }
0x14: {  	s2 =	sld [smem:$0x3F97];
	s0 =	simm.s32 @p1 $0x1  }
0x15: {  	[smem:$0x3FB4] =	sst s0;
	s0 =	simm.s32 @!p2 $0x0  }
0x16: {  	s3 =	sld [smem:$0x3FDB];
	s0 =	simm.s32 @p2 $0x1  }
0x17: {  	s4 =	simm.s32 $0x1BF5;
	[smem:$0x3FB6] =	sst s0  }
0x18: {  	s0 =	sld [smem:$0x3F99];
	_ =	swait.ge [sflag:s4], $0x0  }
0x19: {  	s7 =	sld [smem:$0x3F9A]  }
0x1a: {  	s8 =	sadd.s32 $0xFFFFE003, lr  }
0x1b: {  	s9 =	sadd.s32 $0xFFFFFEF7, lr;
	s5 =	simm.s32 $0xFFFFFFFF;
	p2 =	slt.u32 s8, $0xFFFFF086  }
0x1c: {  	p1 =	slt.u32 s9, $0xF7A;
	s5 =	simm.s32 @!p2 $0x0  }
0x1d: {  	s5 =	simm.s32 @p1 $0x1;
	p0 =	seq.s32 s7, s2  }
0x1e: {  	s7 =	smul.u32 @!p0 $0xF7A, s2;
	p2 =	seq.s32 @!p0 s5, $0x0  }
0x1f: {  	s9 =	smul.u32 $0xF7A, s1;
	s8 =	simm.s32 @!p0 $0x1BF5;
	p2 =	por !p2, p0  }
0x20: {  	[sflag:s8] =	ssyncset.s32 @!p0 $0xFFFFF086;
	s6 =	sadd.s32 @!p0 s3, s7;
	s7 =	simm.s32 @!p0 $0x108  }
0x21: {  	s3 =	sadd.s32 s3, s9;
	s6 =	sadd.s32 @!p0 $0x88, s6;
	s7 =	simm.s32 @p2 $0x1082  }
0x22: {  	[simem:s7], [sflag:s8] =	dma.local @!p0 [hbm:s6], $0xF7A  }
0x23: {  	s9 =	sor.u32 $0xD0000000, s2;
	s6 =	simm.s32 $0x108;
	_ =	swait.ge @!p0 [sflag:s8], $0x0  }
0x24: {  	s3 =	sadd.s32 $0x88, s3;
	s6 =	simm.s32 @!p1 $0x1082;
	[sflag:s4] =	ssyncset.s32 $0xFFFFF086  }
0x25: {  	[simem:s6], [sflag:s4] =	dma.local [hbm:s3], $0xF7A  }
0x26: {  	[smem:$0x3F9A] =	sst s1;
	(tag) =	ssettag s2;
	_ =	strace s9  }
0x27: {  	s1 =	sld [smem:$0x3FAA]  }
0x28: {  	s2 =	sld [smem:$0x3FAB]  }
0x29: {  	s4 =	sld [smem:$0x3FAD]  }
0x2a: {  	p0 =	seq.s32 s5, $0x0;
	s5 =	sld [smem:$0x3FAE]  }
0x2b: {  	s6 =	sld [smem:$0x3FAF]  }
0x2c: {  	s7 =	sld [smem:$0x3FB0]  }
0x2d: {  	s3 =	simm.s32 $0x108;
	s8 =	sld [smem:$0x3FB1]  }
0x2e: {  	s3 =	simm.s32 @!p0 $0x1082;
	s9 =	sld [smem:$0x3FB2]  }
0x2f: {  	lr =	sadd.s32 s0, s3;
	s0 =	sld [smem:$0x3FA9]  }
0x30: {  	s3 =	sld [smem:$0x3FAC]  }
0x31: {  	[smem:$0x3FB5] =	sst s10  }
0x32: {  	s10 =	sld [smem:$0x3FB3];
	_ =	sdelay $0x3  }
0x33: {  	p0 =	seq.s32 s10, $0x1;
	s10 =	sld [smem:$0x3FB5];
	_ =	sdelay $0x3  }
0x34: {  	[smem:$0x3FB5] =	sst s10  }
0x35: {  	s10 =	sld [smem:$0x3FB4];
	_ =	sdelay $0x3  }
0x36: {  	p1 =	seq.s32 s10, $0x1;
	s10 =	sld [smem:$0x3FB5];
	_ =	sdelay $0x3  }
0x37: {  	[smem:$0x3FB5] =	sst s10  }
0x38: {  	s10 =	sld [smem:$0x3FB6]  }
0x39: {  	_ = 	snop;
	(pc) =	sbr.ind lr, $3  }
0x3a: {  	_ = 	snop  }
0x3b: {  	_ = 	snop  }
0x3c: {  	p2 =	seq.s32 s10, $0x1;
	s10 =	sld [smem:$0x3FB5]  }
0x3d: {  	_ =	shalt  }
0x3e: {  	_ =	shalt  }
0x3f: {  	_ =	shalt  }
0x40: {  	_ =	shalt  }
0x41: {  	_ =	shalt  }
0x42: {  	_ =	shalt  }
0x43: {  	_ =	shalt  }
0x44: {  	_ =	shalt  }
0x45: {  	_ =	shalt  }
0x46: {  	_ =	shalt  }
0x47: {  	_ =	shalt  }
0x48: {  	_ =	shalt  }
0x49: {  	_ =	shalt  }
0x4a: {  	_ =	shalt  }
0x4b: {  	_ =	shalt  }
0x4c: {  	_ =	shalt  }
0x4d: {  	_ =	shalt  }
0x4e: {  	_ =	shalt  }
0x4f: {  	_ =	shalt  }
0x50: {  	_ =	shalt  }
0x51: {  	_ =	shalt  }
0x52: {  	_ =	shalt  }
0x53: {  	_ =	shalt  }
0x54: {  	_ =	shalt  }
0x55: {  	_ =	shalt  }
0x56: {  	_ =	shalt  }
0x57: {  	_ =	shalt  }
0x58: {  	_ =	shalt  }
0x59: {  	_ =	shalt  }
0x5a: {  	_ =	shalt  }
0x5b: {  	_ =	shalt  }
0x5c: {  	_ =	shalt  }
0x5d: {  	_ =	shalt  }
0x5e: {  	_ =	shalt  }
0x5f: {  	_ =	shalt  }
0x60: {  	_ =	shalt  }
0x61: {  	_ =	shalt  }
0x62: {  	_ =	shalt  }
0x63: {  	_ =	shalt  }
0x64: {  	_ =	shalt  }
0x65: {  	_ =	shalt  }
0x66: {  	_ =	shalt  }
0x67: {  	_ =	shalt  }
0x68: {  	_ =	shalt  }
0x69: {  	_ =	shalt  }
0x6a: {  	_ =	shalt  }
0x6b: {  	_ =	shalt  }
0x6c: {  	_ =	shalt  }
0x6d: {  	_ =	shalt  }
0x6e: {  	_ =	shalt  }
0x6f: {  	_ =	shalt  }
0x70: {  	_ =	shalt  }
0x71: {  	_ =	shalt  }
0x72: {  	_ =	shalt  }
0x73: {  	_ =	shalt  }
0x74: {  	_ =	shalt  }
0x75: {  	_ =	shalt  }
0x76: {  	_ =	shalt  }
0x77: {  	_ =	shalt  }
0x78: {  	_ =	shalt  }
0x79: {  	_ =	shalt  }
0x7a: {  	_ =	shalt  }
0x7b: {  	_ =	shalt  }
0x7c: {  	_ =	shalt  }
0x7d: {  	_ =	shalt  }
0x7e: {  	_ =	shalt  }
0x7f: {  	_ =	shalt  }
0x80: {  	_ =	shalt  }
0x81: {  	_ =	shalt  }
0x82: {  	_ =	shalt  }
0x83: {  	_ =	shalt  }
0x84: {  	_ =	shalt  }
0x85: {  	_ =	shalt  }
0x86: {  	_ =	shalt  }
0x87: {  	_ =	shalt  }
.Lfunc_end0:
.L_simem_size_0:
called_computation_lowered:
.L_overlay_start_0:
0x88: {  	s2 =	sld [smem:$0x3FD9]  }
0x89: {  	s3 =	sld [smem:$0x3FFE];
	_ =	sdelay $0x1  }
0x8a: {  	s1 =	srdreg.scid  }
0x8b: {  	s0 =	sand.u32 $0x1, s1  }
0x8c: {  	s17 =	sshll.u32 s0, $0xA;
	s2 =	sadd.s32 s3, s2  }
0x8d: {  	s2 =	sadd.s32 s2, s17  }
0x8e: {  	[smem:$0x3FC1] =	sst s2  }
0x8f: {  	_ = 	snop  }
0x90: {  	s2 =	sld [smem:$0x3FD0];
	(tm) =	ssettm $0x1  }
0x91: {  	s18 =	sld [smem:$0x3FFB];
	_ =	sdelay $0x3  }
0x92: {  	_ =	strace s18  }
0x93: {  	s3 =	sld [smem:$0x3FFC];
	_ =	sdelay $0x3  }
0x94: {  	_ =	strace s3  }
0x95: {  	s3 =	sld [smem:$0x3FFD];
	_ =	sdelay $0x3  }
0x96: {  	_ =	strace s3  }
0x97: {  	_ =	strace $0x8FFFFFFF  }
0x98: {  	s19 =	sld [smem:$0x3FDB];
	_ =	sdelay $0x1  }
0x99: {  	s4 =	simm.s32 $_scs_section_size  }
0x9a: {  	s5 =	simm.s32 $_size__tile_overlayer_lowered;
	s6 =	simm.s32 $_tile_overlayer_lowered  }
0x9b: {  	s22 =	simm.s32 $0x1BFF;
	s21 =	sshll.u32 s6, $0x1;
	s3 =	sadd.s32 s4, s19  }
0x9c: {  	s7 =	simm.s32 $0x0;
	s20 =	sshll.u32 s5, $0x1;
	s5 =	sadd.s32 s21, s3  }
0x9d: {  	[timem:s7], [sflag:s22] =	dma.local [hbm:s5], s20  }
0x9e: {  	_ =	swait.ge [sflag:s22], s20  }
0x9f: {  	s4 =	ssub.s32 $0x0, s20;
	[sflag:s22] =	ssyncset.done $0x0  }
0xa0: {  	[sflag:s22] =	ssyncadd.s32 s4;
	_ =	sdelay $0x1  }
0xa1: {  	s23 =	simm.s32 $0x1B8B  }
0xa2: {  	_ =	swait.ge [sflag:s23], $0x1  }
0xa3: {  	[sflag:s23] =	ssyncset.done $0x0  }
0xa4: {  	s25 =	simm.s32 $0x1B8E;
	s24 =	sld [smem:$0x3FFE];
	[sflag:s23] =	ssyncadd.s32 $0xFFFFFFFF  }
0xa5: {  	s26 =	simm.s32 $execute0_lowered;
	[smem:$0x3FD2] =	sst s25  }
0xa6: {  	s5 =	sshll.u32 s26, $0x1;
	_ =	strace $0x80000046;
	[dreg:$0x1] =	wrdreg $0xFFFFFFFF  }
0xa7: {  	s28 =	simm.s32 $_size_execute0_lowered;
	s3 =	sadd.s32 s3, s5;
	[dreg:$0x0] =	wrdreg $0x0  }
0xa8: {  	s5 =	sshll.u32 s28, $0x1;
	[dreg:$0x2] =	wrdreg s3  }
0xa9: {  	[dreg:$0x3] =	wrdreg s5  }
0xaa: {  	[dreg:$0x4] =	wrdreg $0xC0  }
0xab: {  	_ =	task [dreg:s7], $0x5FFFF  }
0xac: {  	[dreg:$0x1] =	wrdreg $0xFFFFFFFF  }
0xad: {  	[dreg:$0x0] =	wrdreg $0x60  }
0xae: {  	[dreg:$0x2] =	wrdreg s24  }
0xaf: {  	[dreg:$0x3] =	wrdreg s2  }
0xb0: {  	[dreg:$0x4] =	wrdreg $0x98000  }
0xb1: {  	[dreg:$0x5] =	wrdreg $0x9  }
0xb2: {  	_ =	task.clear_ibuf [dreg:s7], $0x6FFFF;
	_ =	strace $0x90000046  }
0xb3: {  	s29 =	simm.s32 $0x9;
	_ =	strace $0x80000048  }
0xb4: {  	_ =	swait.ge [sflag:s29], $0x1  }
0xb5: {  	[sflag:s29] =	ssyncadd.s32 $0xFFFFFFFF  }
0xb6: {  	_ =	strace $0x90000048  }
0xb7: {  	_ =	sfence  }
0xb8: {  	s30 =	sld [smem:$0x0];
	_ =	sdelay $0x2  }
0xb9: {  	s31 =	sshll.u32 s1, $0xD;
	s1 =	sshrl.u32 s1, $0x2  }
0xba: {  	s3 =	sand.u32 $0x4000, s31;
	s1 =	sadd.s32 s1, s30  }
0xbb: {  	s0 =	sor.u32 s3, s0;
	s1 =	sshll.u32 s1, $0x11  }
0xbc: {  	s0 =	sor.u32 s1, s0  }
0xbd: {  	s0 =	sadd.s32 $0x8F2B, s0  }
0xbe: {  	[sflag:s0] =	ssyncadd.remote.s32 $0x1  }
0xbf: {  	_ =	sfence.sel $0xFFFF  }
0xc0: {  	[dreg:$0x0] =	wrdreg $0xFFFFFFFF;
	(pc) =	sbr.abs _section_cstart, $3  }
0xc1: {  	[dreg:$0x1] =	wrdreg $0xFFFFFFFF  }
0xc2: {  	_ =	task.clear_ibuf [dreg:s7], $0x2FFFF;
	_ =	strace $0x9FFFFFFF  }
0xc3: {  	(tm) =	ssettm $0x7FFFFFFF  }
tec
execute0_lowered:
.L_overlay_start_1:
0x0: {  	(tag) =	ssettag $0x1  }
0x1: {  	s6 =	rddreg [dreg:$0x0]  }
0x2: {  	s7 =	rddreg [dreg:$0x1]  }
0x3: {  	s2 =	rddreg [dreg:$0x2]  }
0x4: {  	s3 =	simm.s32 $0x0;
	s1 =	stileid.u32;
	s4 =	srdreg.scid  }
0x5: {  	s15 =	simm.s32 $0x5000;
	s16 =	simm.s32 $0x6200;
	s17 =	simm.s32 $0x1  }
0x6: {  	s18 =	simm.s32 $0x2;
	s19 =	simm.s32 $0x7400;
	s20 =	simm.s32 $0x8600  }
0x7: {  	s21 =	simm.s32 $0x40;
	s22 =	simm.s32 $0x3;
	s23 =	simm.s32 $0x4  }
0x8: {  	s28 =	simm.s32 $0x4FC0;
	s29 =	simm.s32 $0x0;
	s8 =	smul.u32 $0x2800, s1  }
0x9: {  	[smem:$0x7FF] =	sst s3;
	s9 =	sand.u32 $0x1, s4;
	s10 =	smul.u32 $0x2C70, s1  }
0xa: {  	s4 =	sadd.s32 $0x9E600, s6;
	s14 =	smul.u32 $0x58E00, s1;
	s30 =	sshll.u32 s1, $0x6  }
0xb: {  	_ =	strace $0x80000047;
	s12 =	smul.u32 $0x2C700, s9;
	s13 =	ssub.s32 $0x2, s9  }
0xc: {  	s9 =	smul.u32 $0x28000, s9;
	s5 =	sshrl.u32 s8, $0x3;
	s24 =	sshrl.u32 s13, $0x1  }
0xd: {  	s26 =	sshrl.u32 s14, $0x2;
	s11 =	sadd.s32 s5, s6;
	s5 =	sadd.s32 $0x5600, s6  }
0xe: {  	s10 =	sadd.s32 s10, s12;
	s12 =	ssub.s32 s13, s24;
	s25 =	sadd.s32 s8, s9  }
0xf: {  	s14 =	sadd.s32 s26, s2;
	s13 =	simm.s32 $0x2800;
	s24 =	simm.s32 $0x27C0  }
0x10: {  	s26 =	simm.s32 $0x4F80;
	s10 =	sadd.s32 s10, s6;
	s31 =	sshrl.u32 s25, $0x3  }
0x11: {  	s6 =	sor.u32 $0x1C05, s30;
	s8 =	sadd.s32 $0x600, s11;
	s11 =	sshrl.u32 s14, $0x3  }
0x12: {  	s14 =	simm.s32 $0x20;
	s25 =	simm.s32 $0x27E0;
	s7 =	sadd.s32 s7, s31  }
0x13: {  	s9 =	sadd.s32 $0x8400, s10;
	s10 =	smax.u32 s12, $0x1;
	s12 =	simm.s32 $0x5  }
.LBB2_1:
0x14: {  	[spmem:s11], [sflag:s6] =	dma.local [hbm:s5], $0x2C70  }
0x15: {  	_ =	swait.ge [sflag:s12], $0x2C70  }
0x16: {  	[sflag:s12] =	ssyncset.done $0x0  }
0x17: {  	[sflag:s12] =	ssyncadd.s32 $0xFFFFD390  }
0x18: {  	[tilespmem:s3], [sflag:$0x5] =	stream.linear.gather [hbm4b:s7+s3], $0x2800, $0x38;
	[tilespmem:$0x1FB80] =	vst v63  }
0x19: {  	_ =	swait.ge [sflag:s12], $0x2800  }
0x1a: {  	[sflag:s12] =	ssyncset.done $0x0  }
0x1b: {  	[sflag:s12] =	ssyncadd.s32 $0xFFFFD800  }
0x1c: {  	[tilespmem:s13], [sflag:$0x5] =	stream.linear.gather [hbm4b:s8+s3], $0x2800, $0x38;
	[tilespmem:$0x1FB80] =	vst v63  }
0x1d: {  	_ =	swait.ge [sflag:s12], $0x2800  }
0x1e: {  	[sflag:s12] =	ssyncset.done $0x0  }
0x1f: {  	[sflag:s12] =	ssyncadd.s32 $0xFFFFD800  }
0x20: {  	[bflag:$0x0] =	sbarrier.arrive $0xFFFF  }
0x21: {  	[tilespmem:s15], [sflag:$0x1] =	stream.indirect.gather [hbm4b:s4+s14], $0x90, s3, s14, $0xb8;
	[tilespmem:$0x1FB80] =	vst v63  }
0x22: {  	_ = 	snop  }
0x23: {  	[tilespmem:s16], [sflag:$0x2] =	stream.indirect.gather [hbm4b:s4+s14], $0x90, s14, s14, $0xb8;
	[tilespmem:$0x1FB80] =	vst v63  }
0x24: {  	_ =	swait.ge [sflag:s17], $0x1200  }
0x25: {  	[sflag:s17] =	ssyncset.done $0x0  }
0x26: {  	[sflag:s17] =	ssyncadd.s32 $0xFFFFEE00  }
0x27: {  	_ =	swait.ge [sflag:s18], $0x1200  }
0x28: {  	[sflag:s18] =	ssyncset.done $0x0  }
0x29: {  	s30 =	simm.s32 $0x40;
	[sflag:s18] =	ssyncadd.s32 $0xFFFFEE00  }
0x2a: {  	[tilespmem:s19], [sflag:$0x3] =	stream.indirect.gather [hbm4b:s4+s14], $0x90, s30, s14, $0xb8;
	[tilespmem:$0x1FB80] =	vst v63  }
0x2b: {  	s30 =	simm.s32 $0x60  }
0x2c: {  	[tilespmem:s20], [sflag:$0x4] =	stream.indirect.gather [hbm4b:s4+s14], $0x90, s30, s14, $0xb8;
	[tilespmem:$0x1FB80] =	vst v63  }
0x2d: {  	s30 =	simm.s32 $0x2800  }
0x2e: {  	[spmem:s2] =	stream.indirect.scatter.add.f32 [tilespmem:s15], [sflag:$0x5], $0x90, s30, s21, $0xb8;
	[tilespmem:$0x1FB80] =	vst v63  }
0x2f: {  	_ =	swait.ge [sflag:s12], $0x2400  }
0x30: {  	[sflag:s12] =	ssyncset.done $0x0  }
0x31: {  	[sflag:s12] =	ssyncadd.s32 $0xFFFFDC00  }
0x32: {  	_ =	swait.ge [sflag:s22], $0x1200  }
0x33: {  	[sflag:s22] =	ssyncset.done $0x0  }
0x34: {  	[sflag:s22] =	ssyncadd.s32 $0xFFFFEE00  }
0x35: {  	_ =	swait.ge [sflag:s23], $0x1200  }
0x36: {  	[sflag:s23] =	ssyncset.done $0x0  }
0x37: {  	s30 =	simm.s32 $0x80;
	[sflag:s23] =	ssyncadd.s32 $0xFFFFEE00  }
0x38: {  	[tilespmem:s15], [sflag:$0x1] =	stream.indirect.gather [hbm4b:s4+s14], $0x90, s30, s14, $0xb8;
	[tilespmem:$0x1FB80] =	vst v63  }
0x39: {  	s30 =	simm.s32 $0xA0  }
0x3a: {  	[tilespmem:s16], [sflag:$0x2] =	stream.indirect.gather [hbm4b:s4+s14], $0x90, s30, s14, $0xb8;
	[tilespmem:$0x1FB80] =	vst v63  }
0x3b: {  	s30 =	simm.s32 $0x2840  }
0x3c: {  	[spmem:s2] =	stream.indirect.scatter.add.f32 [tilespmem:s19], [sflag:$0x5], $0x90, s30, s21, $0xb8;
	[tilespmem:$0x1FB80] =	vst v63  }
0x3d: {  	_ =	swait.ge [sflag:s12], $0x2400  }
0x3e: {  	s30 =	simm.s32 $0x200;
	[sflag:s12] =	ssyncset.done $0x0  }
.LBB2_2:
0x3f: {  	p0 =	sne.s32 s30, $0x9C00  }
0x40: {  	[sflag:s12] =	ssyncadd.s32 $0xFFFFDC00;
	s31 =	smov.u32 s30;
	s30 =	sadd.s32 $0x200, s30  }
0x41: {  	_ = 	snop  }
0x42: {  	_ =	swait.ge [sflag:s17], $0x1200  }
0x43: {  	[sflag:s17] =	ssyncset.done $0x0  }
0x44: {  	[sflag:s17] =	ssyncadd.s32 $0xFFFFEE00  }
0x45: {  	_ =	swait.ge [sflag:s18], $0x1200  }
0x46: {  	s31 =	sshra.s32 s31, $0x2;
	[sflag:s18] =	ssyncset.done $0x0  }
0x47: {  	s0 =	sadd.s32 $0x40, s31;
	[sflag:s18] =	ssyncadd.s32 $0xFFFFEE00  }
0x48: {  	[tilespmem:s19], [sflag:$0x3] =	stream.indirect.gather [hbm4b:s4+s14], $0x90, s0, s14, $0xb8;
	[tilespmem:$0x1FB80] =	vst v63  }
0x49: {  	s0 =	sadd.s32 $0x60, s31  }
0x4a: {  	[tilespmem:s20], [sflag:$0x4] =	stream.indirect.gather [hbm4b:s4+s14], $0x90, s0, s14, $0xb8;
	[tilespmem:$0x1FB80] =	vst v63  }
0x4b: {  	s0 =	sadd.s32 $0x2800, s31  }
0x4c: {  	[spmem:s2] =	stream.indirect.scatter.add.f32 [tilespmem:s15], [sflag:$0x5], $0x90, s0, s21, $0xb8;
	[tilespmem:$0x1FB80] =	vst v63  }
0x4d: {  	_ =	swait.ge [sflag:s12], $0x2400  }
0x4e: {  	[sflag:s12] =	ssyncset.done $0x0  }
0x4f: {  	[sflag:s12] =	ssyncadd.s32 $0xFFFFDC00  }
0x50: {  	_ =	swait.ge [sflag:s22], $0x1200  }
0x51: {  	[sflag:s22] =	ssyncset.done $0x0  }
0x52: {  	[sflag:s22] =	ssyncadd.s32 $0xFFFFEE00  }
0x53: {  	_ =	swait.ge [sflag:s23], $0x1200  }
0x54: {  	[sflag:s23] =	ssyncset.done $0x0  }
0x55: {  	s0 =	sadd.s32 $0x80, s31;
	[sflag:s23] =	ssyncadd.s32 $0xFFFFEE00  }
0x56: {  	[tilespmem:s15], [sflag:$0x1] =	stream.indirect.gather [hbm4b:s4+s14], $0x90, s0, s14, $0xb8;
	[tilespmem:$0x1FB80] =	vst v63  }
0x57: {  	s0 =	sadd.s32 $0xA0, s31  }
0x58: {  	[tilespmem:s16], [sflag:$0x2] =	stream.indirect.gather [hbm4b:s4+s14], $0x90, s0, s14, $0xb8;
	[tilespmem:$0x1FB80] =	vst v63  }
.Ltmp0:
0x59: {  	_ = 	snop;
	(pc) =	sbr.rel @p0 .LBB2_2-.Ltmp0, $4  }
0x5a: {  	s0 =	sadd.s32 $0x2840, s31  }
0x5b: {  	[spmem:s2] =	stream.indirect.scatter.add.f32 [tilespmem:s19], [sflag:$0x5], $0x90, s0, s21, $0xb8;
	[tilespmem:$0x1FB80] =	vst v63  }
0x5c: {  	_ =	swait.ge [sflag:s12], $0x2400  }
0x5d: {  	[sflag:s12] =	ssyncset.done $0x0  }
0x5e: {  	[sflag:s12] =	ssyncadd.s32 $0xFFFFDC00  }
0x5f: {  	_ =	swait.ge [sflag:s17], $0x1200  }
0x60: {  	[sflag:s17] =	ssyncset.done $0x0  }
0x61: {  	[sflag:s17] =	ssyncadd.s32 $0xFFFFEE00  }
0x62: {  	_ =	swait.ge [sflag:s18], $0x1200  }
0x63: {  	[sflag:s18] =	ssyncset.done $0x0  }
0x64: {  	[sflag:s18] =	ssyncadd.s32 $0xFFFFEE00  }
0x65: {  	[tilespmem:s19], [sflag:$0x3] =	stream.indirect.gather [hbm4b:s4+s14], $0x90, s24, s14, $0xb8;
	[tilespmem:$0x1FB80] =	vst v63  }
0x66: {  	_ = 	snop  }
0x67: {  	[tilespmem:s20], [sflag:$0x4] =	stream.indirect.gather [hbm4b:s4+s14], $0x90, s25, s14, $0xb8;
	[tilespmem:$0x1FB80] =	vst v63  }
0x68: {  	_ = 	snop  }
0x69: {  	[spmem:s2] =	stream.indirect.scatter.add.f32 [tilespmem:s15], [sflag:$0x5], $0x90, s26, s21, $0xb8;
	[tilespmem:$0x1FB80] =	vst v63  }
0x6a: {  	_ =	swait.ge [sflag:s12], $0x2400  }
0x6b: {  	[sflag:s12] =	ssyncset.done $0x0  }
0x6c: {  	[sflag:s12] =	ssyncadd.s32 $0xFFFFDC00  }
0x6d: {  	_ =	swait.ge [sflag:s22], $0x1200  }
0x6e: {  	[sflag:s22] =	ssyncset.done $0x0  }
0x6f: {  	[sflag:s22] =	ssyncadd.s32 $0xFFFFEE00  }
0x70: {  	_ =	swait.ge [sflag:s23], $0x1200  }
0x71: {  	[sflag:s23] =	ssyncset.done $0x0  }
0x72: {  	[sflag:s23] =	ssyncadd.s32 $0xFFFFEE00  }
0x73: {  	[spmem:s2] =	stream.indirect.scatter.add.f32 [tilespmem:s19], [sflag:$0x5], $0x90, s28, s21, $0xb8;
	[tilespmem:$0x1FB80] =	vst v63  }
0x74: {  	_ =	swait.ge [sflag:s12], $0x2400  }
0x75: {  	s29 =	sadd.s32 $0x1, s29;
	[sflag:s12] =	ssyncset.done $0x0  }
0x76: {  	p0 =	sne.s32 s29, s10;
	[sflag:s12] =	ssyncadd.s32 $0xFFFFDC00  }
.Ltmp1:
0x77: {  	[bflag:$0x0] =	sbarrier.arrive $0xFFFF;
	(pc) =	sbr.rel @p0 .LBB2_1-.Ltmp1, $4  }
0x78: {  	[hbm:s9], [sflag:s6] =	dma.local [spmem:s11], $0x2C70  }
0x79: {  	_ =	swait.ge [sflag:s12], $0x2C70  }
0x7a: {  	[sflag:s12] =	ssyncset.done $0x0  }
0x7b: {  	[sflag:s12] =	ssyncadd.s32 $0xFFFFD390  }
0x7c: {  	_ =	sfence.sel $0x180000  }
0x7d: {  	[bflag:$0x0] =	sbarrier.arrive $0xFFFF  }
0x7e: {  	_ =	strace $0x90000047  }
0x7f: {  	[bflag:$0x2] =	sbarrier.arrive $0xFFFF  }
0x80: {  	p0 =	sne.s32 s1, $0x0;
	s0 =	rddreg [dreg:$0x3]  }
0x81: {  	s0 =	sadd.s32 @!p0 $0x100000, s0  }
0x82: {  	[sflag:s0] =	ssyncadd.tile.s32 @!p0 $0x1;
	_ =	shalt  }
.Lfunc_end2:
_tile_overlayer_lowered:
.L_overlay_start_2:
0x83: {  	(tag) =	ssettag $0x2  }
0x84: {  	s0 =	rddreg [dreg:$0x0];
	s2 =	stileid.u32  }
0x85: {  	s1 =	rddreg [dreg:$0x1];
	p0 =	sne.s32 s2, $0x0  }
0x86: {  	s3 =	rddreg [dreg:$0x2];
	[bflag:$0x3] =	sbarrier.arrive $0xFFFF;
	s2 =	simm.s32 @!p0 $0x1C05  }
0x87: {  	[timem:s3], [sflag:s2] =	dma.local @!p0 [hbm:s0], s1  }
0x88: {  	s0 =	simm.s32 @!p0 $0x5  }
0x89: {  	_ =	swait.ge @!p0 [sflag:s0], s1  }
0x8a: {  	s1 =	ssub.s32 @!p0 $0x0, s1;
	[sflag:s0] =	ssyncset.done @!p0 $0x0  }
0x8b: {  	[sflag:s0] =	ssyncadd.s32 @!p0 s1  }
0x8c: {  	[bflag:$0x3] =	sbarrier.arrive $0xFFFF  }
0x8d: {  	_ =	shalt  }

</sc_bundles>
